<compile_context>
chip_gen: v7x
topology: tpu7x:2x2x1
jax: 0.10.2.dev20260603
libtpu: 0.0.44.dev20260713+nightly
codegen_flags: <defaults>
</compile_context>

<pallas_src>
import functools

import jax
import jax.numpy as jnp
from jax import lax
from jax.experimental import pallas as pl
from jax.experimental.pallas import tpu as pltpu
from jax.experimental.pallas import tpu_sc as plsc

S = 64.0
M = 0.4

_BR = 2048

_NC = 2
_NS = 16
_W = _NC * _NS


def _scale_block(x_ref, o_ref):
    o_ref[...] = x_ref[...] * S


def _margin_body(nper, nbatch, lab_hbm, data, lab_v, idx_v, val_v, sem):
    wid = lax.axis_index("s") * _NC + lax.axis_index("c")
    base = pl.multiple_of(wid * nper, 8)
    pltpu.sync_copy(lab_hbm.at[pl.ds(base, nper)], lab_v)
    for j in range(nper // 16):
        l = lab_v[pl.ds(16 * j, 16)]
        r = base + 16 * j + lax.iota(jnp.int32, 16)
        idx_v[pl.ds(16 * j, 16)] = jnp.maximum(l, 0) * nbatch + r
    pltpu.async_copy(data.at[idx_v], val_v, sem).wait()
    for j in range(nper // 16):
        l = lab_v[pl.ds(16 * j, 16)]
        delta = jnp.where(l >= 0, jnp.float32(M * S), jnp.float32(0.0))
        val_v[pl.ds(16 * j, 16)] = val_v[pl.ds(16 * j, 16)] - delta
    pltpu.async_copy(val_v, data.at[idx_v], sem).wait()


def kernel(logits, labels):
    B, C = logits.shape
    lt = logits.T

    scaled_t = pl.pallas_call(
        _scale_block,
        grid=(pl.cdiv(C, _BR),),
        in_specs=[pl.BlockSpec((_BR, B), lambda i: (i, 0))],
        out_specs=pl.BlockSpec((_BR, B), lambda i: (i, 0)),
        out_shape=jax.ShapeDtypeStruct((C, B), logits.dtype),
        compiler_params=pltpu.CompilerParams(
            dimension_semantics=("arbitrary",),
        ),
    )(lt)

    nper = B // _W
    sc_margin = pl.kernel(
        functools.partial(_margin_body, nper, B),
        out_type=(),
        mesh=plsc.VectorSubcoreMesh(
            core_axis_name="c", subcore_axis_name="s",
            num_cores=_NC, num_subcores=_NS,
        ),
        scratch_types=[
            pltpu.VMEM((nper,), jnp.int32),
            pltpu.VMEM((nper,), jnp.int32),
            pltpu.VMEM((nper,), jnp.float32),
            pltpu.SemaphoreType.DMA,
        ],
    )

    ref = jax.new_ref(scaled_t.reshape(C * B))
    sc_margin(labels, ref)
    return ref[...].reshape(C, B).T

# --- scband reference (transcript-rebuilt; emitter-appended) ---
"""Pipeline reference for scband-cos-face-13692355740261 (READ-ONLY COPY).

The authoritative reference and input builder live on the scoring server;
editing this copy changes nothing except your own understanding.
"""

import jax, jax.numpy as jnp
import numpy as np

S = 64.0
M = 0.4
B = 1024
C = 100000


def setup_inputs(seed: int = 0) -> dict:
    key = jax.random.key(seed)
    k1, k2 = jax.random.split(key)
    logits = jax.random.normal(k1, (B, C), dtype=jnp.float32)
    labels = jax.random.randint(k2, (B,), 0, C, dtype=jnp.int64 if jax.config.jax_enable_x64 else jnp.int32).astype(jnp.int32)
    return {"logits": logits, "labels": labels}


def reference(logits, labels):
    # index = where(labels != -1); logits[index, labels[index]] -= m; logits *= s
    valid = (labels != -1)
    # one-hot margin subtraction at (row, label) positions for valid rows
    col = jnp.arange(C, dtype=labels.dtype)[None, :]
    hit = (col == labels[:, None]) & valid[:, None]
    out = (logits - M * hit.astype(logits.dtype)) * S
    return out

if __name__ == "__main__":
    import jax
    _d = setup_inputs()
    print(jax.jit(kernel)(*tuple(_d.values())))

</pallas_src>

<mosaic_0001>
#map = affine_map<(d0, d1) -> (0)>
module attributes {stable_mosaic.version = 14 : i64} {
  func.func @new_body(%arg0: i32, %arg1: i32, %arg2: memref<1024xi32, #tpu.memory_space<hbm>>, %arg3: memref<102400000xf32, #tpu.memory_space<hbm>>, %arg4: memref<102400000xf32, #tpu.memory_space<hbm>>, %arg5: memref<32xi32, #tpu.memory_space<vmem>>, %arg6: memref<32xi32, #tpu.memory_space<vmem>>, %arg7: memref<32xf32, #tpu.memory_space<vmem>>, %arg8: memref<!tpu.dma_semaphore, #tpu.memory_space<semaphore_mem>>) attributes {dimension_semantics = [#tpu.dimension_semantics<core_parallel>, #tpu.dimension_semantics<subcore_parallel>], iteration_bounds = array<i64: 2, 16>, scalar_prefetch = 0 : i64, scratch_operands = 4 : i64, tpu.core_type = #tpu.core_type<sc_vector_subcore>, window_params = [{transform_indices = #map}, {transform_indices = #map}, {transform_indices = #map}]} {
    %mul3A = arith.constant 2 : i32
    %mul3A_0 = arith.muli %arg1, %mul3A : i32
    %add3A = arith.addi %mul3A_0, %arg0 : i32
    %mul3A_1 = arith.constant 32 : i32
    %mul3A_2 = arith.muli %add3A, %mul3A_1 : i32
    %multiple_of3A = tpu.assume_multiple %mul3A_2, 8 : i32
    "tpu.region"() ({
      %run_scoped3A = tpu.sem_alloc : memref<!tpu.dma_semaphore, #tpu.memory_space<semaphore_mem>>
      %dma_start3A_76 = tpu.memref_slice %arg2[%multiple_of3A] : memref<1024xi32, #tpu.memory_space<hbm>> -> memref<32xi32, #tpu.memory_space<hbm>>
      %dma_start3A_77 = tpu.memref_slice %arg2[%multiple_of3A] : memref<1024xi32, #tpu.memory_space<hbm>> -> memref<32xi32, #tpu.memory_space<hbm>>
      tpu.enqueue_dma source(%dma_start3A_77 : memref<32xi32, #tpu.memory_space<hbm>>) target(%arg5 : memref<32xi32, #tpu.memory_space<vmem>>) target_semaphore(%run_scoped3A : memref<!tpu.dma_semaphore, #tpu.memory_space<semaphore_mem>>)
      %dma_wait3A_78 = tpu.memref_slice %arg2[%multiple_of3A] : memref<1024xi32, #tpu.memory_space<hbm>> -> memref<32xi32, #tpu.memory_space<hbm>>
      %dma_wait3A_79 = tpu.memref_slice %arg2[%multiple_of3A] : memref<1024xi32, #tpu.memory_space<hbm>> -> memref<32xi32, #tpu.memory_space<hbm>>
      tpu.wait_dma2 semaphore(%run_scoped3A : memref<!tpu.dma_semaphore, #tpu.memory_space<semaphore_mem>>) src(%dma_wait3A_79 : memref<32xi32, #tpu.memory_space<hbm>>) dst(%arg5 : memref<32xi32, #tpu.memory_space<vmem>>)
      tpu.yield
    }) : () -> ()
    %get3A = arith.constant 0 : index
    %get3A_3 = tpu.vector_load %arg5[%get3A] {strides = array<i32>} : memref<32xi32, #tpu.memory_space<vmem>>, vector<16xi32>,
    %get3A_4 = vector.shape_cast %get3A_3 : vector<16xi32> to vector<16xi32>
    %add3A_5 = arith.constant 0 : i32
    %add3A_6 = arith.addi %multiple_of3A, %add3A_5 : i32
    %iota3A = tpu.iota {dimensions = array<i32: 0>} : vector<16xi32>
    %add3A_7 = vector.broadcast %add3A_6 : i32 to vector<16xi32>
    %add3A_8 = arith.addi %add3A_7, %iota3A : vector<16xi32>
    %max3A = arith.constant 0 : i32
    %max3A_9 = vector.broadcast %max3A : i32 to vector<16xi32>
    %max3A_10 = arith.maxsi %get3A_4, %max3A_9 : vector<16xi32>
    %mul3A_11 = arith.constant 1024 : i32
    %mul3A_12 = vector.broadcast %mul3A_11 : i32 to vector<16xi32>
    %mul3A_13 = arith.muli %max3A_10, %mul3A_12 : vector<16xi32>
    %add3A_14 = arith.addi %mul3A_13, %add3A_8 : vector<16xi32>
    %swap3A = arith.constant 0 : index
    %swap3A_15 = tpu.vector_load %arg6[%swap3A] {strides = array<i32>} : memref<32xi32, #tpu.memory_space<vmem>>, vector<16xi32>,
    %swap3A_16 = vector.shape_cast %swap3A_15 : vector<16xi32> to vector<16xi32>
    %swap3A_17 = vector.shape_cast %add3A_14 : vector<16xi32> to vector<16xi32>
    tpu.vector_store %arg6[%swap3A], %swap3A_17 {strides = array<i32>} : memref<32xi32, #tpu.memory_space<vmem>>, vector<16xi32>,
    %get3A_18 = arith.constant 16 : index
    %get3A_19 = tpu.vector_load %arg5[%get3A_18] {strides = array<i32>} : memref<32xi32, #tpu.memory_space<vmem>>, vector<16xi32>,
    %get3A_20 = vector.shape_cast %get3A_19 : vector<16xi32> to vector<16xi32>
    %add3A_21 = arith.constant 16 : i32
    %add3A_22 = arith.addi %multiple_of3A, %add3A_21 : i32
    %iota3A_23 = tpu.iota {dimensions = array<i32: 0>} : vector<16xi32>
    %add3A_24 = vector.broadcast %add3A_22 : i32 to vector<16xi32>
    %add3A_25 = arith.addi %add3A_24, %iota3A_23 : vector<16xi32>
    %max3A_26 = arith.constant 0 : i32
    %max3A_27 = vector.broadcast %max3A_26 : i32 to vector<16xi32>
    %max3A_28 = arith.maxsi %get3A_20, %max3A_27 : vector<16xi32>
    %mul3A_29 = arith.constant 1024 : i32
    %mul3A_30 = vector.broadcast %mul3A_29 : i32 to vector<16xi32>
    %mul3A_31 = arith.muli %max3A_28, %mul3A_30 : vector<16xi32>
    %add3A_32 = arith.addi %mul3A_31, %add3A_25 : vector<16xi32>
    %swap3A_33 = arith.constant 16 : index
    %swap3A_34 = tpu.vector_load %arg6[%swap3A_33] {strides = array<i32>} : memref<32xi32, #tpu.memory_space<vmem>>, vector<16xi32>,
    %swap3A_35 = vector.shape_cast %swap3A_34 : vector<16xi32> to vector<16xi32>
    %swap3A_36 = vector.shape_cast %add3A_32 : vector<16xi32> to vector<16xi32>
    tpu.vector_store %arg6[%swap3A_33], %swap3A_36 {strides = array<i32>} : memref<32xi32, #tpu.memory_space<vmem>>, vector<16xi32>,
    %dma_start3A = arith.constant 0 : i32
    %dma_start3A_37 = tpu.memref_slice %arg3[%dma_start3A] : memref<102400000xf32, #tpu.memory_space<hbm>> -> memref<102400000xf32, #tpu.memory_space<hbm>>
    tpu.enqueue_indirect_dma source(%dma_start3A_37 : memref<102400000xf32, #tpu.memory_space<hbm>>) target(%arg7 : memref<32xf32, #tpu.memory_space<vmem>>) offsets(%arg6 : memref<32xi32, #tpu.memory_space<vmem>>) semaphore(%arg8 : memref<!tpu.dma_semaphore, #tpu.memory_space<semaphore_mem>>)
    %dma_wait3A = arith.constant 0 : i32
    %dma_wait3A_38 = tpu.memref_slice %arg3[%dma_wait3A] : memref<102400000xf32, #tpu.memory_space<hbm>> -> memref<102400000xf32, #tpu.memory_space<hbm>>
    tpu.wait_indirect_dma semaphore(%arg8 : memref<!tpu.dma_semaphore, #tpu.memory_space<semaphore_mem>>) src(%dma_wait3A_38 : memref<102400000xf32, #tpu.memory_space<hbm>>) dst(%arg7 : memref<32xf32, #tpu.memory_space<vmem>>)
    %get3A_39 = arith.constant 0 : index
    %get3A_40 = tpu.vector_load %arg5[%get3A_39] {strides = array<i32>} : memref<32xi32, #tpu.memory_space<vmem>>, vector<16xi32>,
    %get3A_41 = vector.shape_cast %get3A_40 : vector<16xi32> to vector<16xi32>
    %ge3A = arith.constant 0 : i32
    %ge3A_42 = vector.broadcast %ge3A : i32 to vector<16xi32>
    %ge3A_43 = arith.cmpi sge, %get3A_41, %ge3A_42 : vector<16xi32>
    %jit3A = arith.constant 2.560000e+01 : f32
    %jit3A_44 = arith.constant 0.000000e+00 : f32
    %broadcast_in_dim3A = vector.broadcast %jit3A : f32 to vector<16xf32>
    %broadcast_in_dim3A_45 = vector.broadcast %jit3A_44 : f32 to vector<16xf32>
    %select_n3A = arith.select %ge3A_43, %broadcast_in_dim3A, %broadcast_in_dim3A_45 : vector<16xi1>, vector<16xf32>
    %get3A_46 = arith.constant 0 : index
    %get3A_47 = tpu.vector_load %arg7[%get3A_46] {strides = array<i32>} : memref<32xf32, #tpu.memory_space<vmem>>, vector<16xf32>,
    %get3A_48 = vector.shape_cast %get3A_47 : vector<16xf32> to vector<16xf32>
    %sub3A = arith.subf %get3A_48, %select_n3A : vector<16xf32>
    %swap3A_49 = arith.constant 0 : index
    %swap3A_50 = tpu.vector_load %arg7[%swap3A_49] {strides = array<i32>} : memref<32xf32, #tpu.memory_space<vmem>>, vector<16xf32>,
    %swap3A_51 = vector.shape_cast %swap3A_50 : vector<16xf32> to vector<16xf32>
    %swap3A_52 = vector.shape_cast %sub3A : vector<16xf32> to vector<16xf32>
    tpu.vector_store %arg7[%swap3A_49], %swap3A_52 {strides = array<i32>} : memref<32xf32, #tpu.memory_space<vmem>>, vector<16xf32>,
    %get3A_53 = arith.constant 16 : index
    %get3A_54 = tpu.vector_load %arg5[%get3A_53] {strides = array<i32>} : memref<32xi32, #tpu.memory_space<vmem>>, vector<16xi32>,
    %get3A_55 = vector.shape_cast %get3A_54 : vector<16xi32> to vector<16xi32>
    %ge3A_56 = arith.constant 0 : i32
    %ge3A_57 = vector.broadcast %ge3A_56 : i32 to vector<16xi32>
    %ge3A_58 = arith.cmpi sge, %get3A_55, %ge3A_57 : vector<16xi32>
    %jit3A_59 = arith.constant 2.560000e+01 : f32
    %jit3A_60 = arith.constant 0.000000e+00 : f32
    %broadcast_in_dim3A_61 = vector.broadcast %jit3A_59 : f32 to vector<16xf32>
    %broadcast_in_dim3A_62 = vector.broadcast %jit3A_60 : f32 to vector<16xf32>
    %select_n3A_63 = arith.select %ge3A_58, %broadcast_in_dim3A_61, %broadcast_in_dim3A_62 : vector<16xi1>, vector<16xf32>
    %get3A_64 = arith.constant 16 : index
    %get3A_65 = tpu.vector_load %arg7[%get3A_64] {strides = array<i32>} : memref<32xf32, #tpu.memory_space<vmem>>, vector<16xf32>,
    %get3A_66 = vector.shape_cast %get3A_65 : vector<16xf32> to vector<16xf32>
    %sub3A_67 = arith.subf %get3A_66, %select_n3A_63 : vector<16xf32>
    %swap3A_68 = arith.constant 16 : index
    %swap3A_69 = tpu.vector_load %arg7[%swap3A_68] {strides = array<i32>} : memref<32xf32, #tpu.memory_space<vmem>>, vector<16xf32>,
    %swap3A_70 = vector.shape_cast %swap3A_69 : vector<16xf32> to vector<16xf32>
    %swap3A_71 = vector.shape_cast %sub3A_67 : vector<16xf32> to vector<16xf32>
    tpu.vector_store %arg7[%swap3A_68], %swap3A_71 {strides = array<i32>} : memref<32xf32, #tpu.memory_space<vmem>>, vector<16xf32>,
    %dma_start3A_72 = arith.constant 0 : i32
    %dma_start3A_73 = tpu.memref_slice %arg3[%dma_start3A_72] : memref<102400000xf32, #tpu.memory_space<hbm>> -> memref<102400000xf32, #tpu.memory_space<hbm>>
    tpu.enqueue_indirect_dma source(%arg7 : memref<32xf32, #tpu.memory_space<vmem>>) target(%dma_start3A_73 : memref<102400000xf32, #tpu.memory_space<hbm>>) offsets(%arg6 : memref<32xi32, #tpu.memory_space<vmem>>) semaphore(%arg8 : memref<!tpu.dma_semaphore, #tpu.memory_space<semaphore_mem>>)
    %dma_wait3A_74 = arith.constant 0 : i32
    %dma_wait3A_75 = tpu.memref_slice %arg3[%dma_wait3A_74] : memref<102400000xf32, #tpu.memory_space<hbm>> -> memref<102400000xf32, #tpu.memory_space<hbm>>
    tpu.wait_indirect_dma semaphore(%arg8 : memref<!tpu.dma_semaphore, #tpu.memory_space<semaphore_mem>>) src(%arg7 : memref<32xf32, #tpu.memory_space<vmem>>) dst(%dma_wait3A_75 : memref<102400000xf32, #tpu.memory_space<hbm>>)
    return
  }
}

module attributes {stable_mosaic.version = 14 : i64} {
  func.func @_scale_block(%arg0: i32, %arg1: memref<2048x1024xf32, #tpu.memory_space<vmem>>, %arg2: memref<2048x1024xf32, #tpu.memory_space<vmem>>) attributes {dimension_semantics = [#tpu.dimension_semantics<arbitrary>], iteration_bounds = array<i64: 49>, scalar_prefetch = 0 : i64, scratch_operands = 0 : i64, tpu.core_type = #tpu.core_type<tc>, window_params = [{transform_indices = @transform_0, window_bounds = array<i64: 2048, 1024>}, {transform_indices = @transform_1, window_bounds = array<i64: 2048, 1024>}]} {
    %get3A = arith.constant 0 : index
    %get3A_0 = arith.constant 0 : index
    %get3A_1 = vector.load %arg1[%get3A, %get3A_0] : memref<2048x1024xf32, #tpu.memory_space<vmem>>, vector<2048x1024xf32>
    %mul3A = arith.constant 6.400000e+01 : f32
    %mul3A_2 = vector.broadcast %mul3A : f32 to vector<2048x1024xf32>
    %mul3A_3 = arith.mulf %get3A_1, %mul3A_2 : vector<2048x1024xf32>
    %swap3A = arith.constant 0 : index
    %swap3A_4 = arith.constant 0 : index
    %swap3A_5 = vector.load %arg2[%swap3A, %swap3A_4] : memref<2048x1024xf32, #tpu.memory_space<vmem>>, vector<2048x1024xf32>
    tpu.vector_store %arg2[%swap3A, %swap3A_4], %mul3A_3 {strides = array<i32>} : memref<2048x1024xf32, #tpu.memory_space<vmem>>, vector<2048x1024xf32>,
    return
  }
  func.func @transform_0(%arg0: i32) -> (i32, i32) {
    %c0_i32 = arith.constant 0 : i32
    %c0_i32_0 = arith.constant 0 : i32
    return %arg0, %c0_i32 : i32, i32
  }
  func.func @transform_1(%arg0: i32) -> (i32, i32) {
    %c0_i32 = arith.constant 0 : i32
    %c0_i32_0 = arith.constant 0 : i32
    return %arg0, %c0_i32 : i32, i32
  }
}

</mosaic_0001>

<sc_bundles>
// kernel: kernel.4.cloned.1.call-start
scs
__scs_entry_jumppad:
0x0: {  	(pc) =	sbr.rel $0x88, $3  }
0x1: {  	(tag) =	ssettag $0x0;
	lr =	simm.s32 $0x1  }
0x2: {  	[smem:$0x3F9F] =	sst lr;
	_ =	strace $0xD0000000  }
0x3: {  	_ = 	snop  }
0x4: {  	_ = 	snop  }
0x5: {  	_ = 	snop  }
0x6: {  	_ = 	snop  }
0x7: {  	_ = 	snop  }
__scs_overlays_trampoline_lowered:
0x8: {  	[smem:$0x3FAE] =	sst s0  }
0x9: {  	[smem:$0x3FAF] =	sst s1  }
0xa: {  	[smem:$0x3FB0] =	sst s2  }
0xb: {  	[smem:$0x3FB1] =	sst s3  }
0xc: {  	[smem:$0x3FB2] =	sst s4  }
0xd: {  	[smem:$0x3FB3] =	sst s5  }
0xe: {  	[smem:$0x3FB4] =	sst s6  }
0xf: {  	[smem:$0x3FB5] =	sst s7  }
0x10: {  	[smem:$0x3FB6] =	sst s8  }
0x11: {  	[smem:$0x3FB7] =	sst s9;
	s0 =	simm.s32 @!p0 $0x0  }
0x12: {  	s1 =	sld [smem:$0x3F9D];
	s0 =	simm.s32 @p0 $0x1  }
0x13: {  	[smem:$0x3FB8] =	sst s0;
	s0 =	simm.s32 @!p1 $0x0  }
0x14: {  	s2 =	sld [smem:$0x3F9C];
	s0 =	simm.s32 @p1 $0x1  }
0x15: {  	[smem:$0x3FB9] =	sst s0;
	s0 =	simm.s32 @!p2 $0x0  }
0x16: {  	s3 =	sld [smem:$0x3FDB];
	s0 =	simm.s32 @p2 $0x1  }
0x17: {  	s4 =	simm.s32 $0x1BF5;
	[smem:$0x3FBB] =	sst s0  }
0x18: {  	s0 =	sld [smem:$0x3F9E];
	_ =	swait.ge [sflag:s4], $0x0  }
0x19: {  	s7 =	sld [smem:$0x3F9F]  }
0x1a: {  	s8 =	sadd.s32 $0xFFFFE003, lr  }
0x1b: {  	s9 =	sadd.s32 $0xFFFFFEF7, lr;
	s5 =	simm.s32 $0xFFFFFFFF;
	p2 =	slt.u32 s8, $0xFFFFF086  }
0x1c: {  	p1 =	slt.u32 s9, $0xF7A;
	s5 =	simm.s32 @!p2 $0x0  }
0x1d: {  	s5 =	simm.s32 @p1 $0x1;
	p0 =	seq.s32 s7, s2  }
0x1e: {  	s7 =	smul.u32 @!p0 $0xF7A, s2;
	p2 =	seq.s32 @!p0 s5, $0x0  }
0x1f: {  	s9 =	smul.u32 $0xF7A, s1;
	s8 =	simm.s32 @!p0 $0x1BF5;
	p2 =	por !p2, p0  }
0x20: {  	[sflag:s8] =	ssyncset.s32 @!p0 $0xFFFFF086;
	s6 =	sadd.s32 @!p0 s3, s7;
	s7 =	simm.s32 @!p0 $0x108  }
0x21: {  	s3 =	sadd.s32 s3, s9;
	s6 =	sadd.s32 @!p0 $0x88, s6;
	s7 =	simm.s32 @p2 $0x1082  }
0x22: {  	[simem:s7], [sflag:s8] =	dma.local @!p0 [hbm:s6], $0xF7A  }
0x23: {  	s9 =	sor.u32 $0xD0000000, s2;
	s6 =	simm.s32 $0x108;
	_ =	swait.ge @!p0 [sflag:s8], $0x0  }
0x24: {  	s3 =	sadd.s32 $0x88, s3;
	s6 =	simm.s32 @!p1 $0x1082;
	[sflag:s4] =	ssyncset.s32 $0xFFFFF086  }
0x25: {  	[simem:s6], [sflag:s4] =	dma.local [hbm:s3], $0xF7A  }
0x26: {  	[smem:$0x3F9F] =	sst s1;
	(tag) =	ssettag s2;
	_ =	strace s9  }
0x27: {  	s1 =	sld [smem:$0x3FAF]  }
0x28: {  	s2 =	sld [smem:$0x3FB0]  }
0x29: {  	s4 =	sld [smem:$0x3FB2]  }
0x2a: {  	p0 =	seq.s32 s5, $0x0;
	s5 =	sld [smem:$0x3FB3]  }
0x2b: {  	s6 =	sld [smem:$0x3FB4]  }
0x2c: {  	s7 =	sld [smem:$0x3FB5]  }
0x2d: {  	s3 =	simm.s32 $0x108;
	s8 =	sld [smem:$0x3FB6]  }
0x2e: {  	s3 =	simm.s32 @!p0 $0x1082;
	s9 =	sld [smem:$0x3FB7]  }
0x2f: {  	lr =	sadd.s32 s0, s3;
	s0 =	sld [smem:$0x3FAE]  }
0x30: {  	s3 =	sld [smem:$0x3FB1]  }
0x31: {  	[smem:$0x3FBA] =	sst s10  }
0x32: {  	s10 =	sld [smem:$0x3FB8];
	_ =	sdelay $0x3  }
0x33: {  	p0 =	seq.s32 s10, $0x1;
	s10 =	sld [smem:$0x3FBA];
	_ =	sdelay $0x3  }
0x34: {  	[smem:$0x3FBA] =	sst s10  }
0x35: {  	s10 =	sld [smem:$0x3FB9];
	_ =	sdelay $0x3  }
0x36: {  	p1 =	seq.s32 s10, $0x1;
	s10 =	sld [smem:$0x3FBA];
	_ =	sdelay $0x3  }
0x37: {  	[smem:$0x3FBA] =	sst s10  }
0x38: {  	s10 =	sld [smem:$0x3FBB]  }
0x39: {  	_ = 	snop;
	(pc) =	sbr.ind lr, $3  }
0x3a: {  	_ = 	snop  }
0x3b: {  	_ = 	snop  }
0x3c: {  	p2 =	seq.s32 s10, $0x1;
	s10 =	sld [smem:$0x3FBA]  }
0x3d: {  	_ =	shalt  }
0x3e: {  	_ =	shalt  }
0x3f: {  	_ =	shalt  }
0x40: {  	_ =	shalt  }
0x41: {  	_ =	shalt  }
0x42: {  	_ =	shalt  }
0x43: {  	_ =	shalt  }
0x44: {  	_ =	shalt  }
0x45: {  	_ =	shalt  }
0x46: {  	_ =	shalt  }
0x47: {  	_ =	shalt  }
0x48: {  	_ =	shalt  }
0x49: {  	_ =	shalt  }
0x4a: {  	_ =	shalt  }
0x4b: {  	_ =	shalt  }
0x4c: {  	_ =	shalt  }
0x4d: {  	_ =	shalt  }
0x4e: {  	_ =	shalt  }
0x4f: {  	_ =	shalt  }
0x50: {  	_ =	shalt  }
0x51: {  	_ =	shalt  }
0x52: {  	_ =	shalt  }
0x53: {  	_ =	shalt  }
0x54: {  	_ =	shalt  }
0x55: {  	_ =	shalt  }
0x56: {  	_ =	shalt  }
0x57: {  	_ =	shalt  }
0x58: {  	_ =	shalt  }
0x59: {  	_ =	shalt  }
0x5a: {  	_ =	shalt  }
0x5b: {  	_ =	shalt  }
0x5c: {  	_ =	shalt  }
0x5d: {  	_ =	shalt  }
0x5e: {  	_ =	shalt  }
0x5f: {  	_ =	shalt  }
0x60: {  	_ =	shalt  }
0x61: {  	_ =	shalt  }
0x62: {  	_ =	shalt  }
0x63: {  	_ =	shalt  }
0x64: {  	_ =	shalt  }
0x65: {  	_ =	shalt  }
0x66: {  	_ =	shalt  }
0x67: {  	_ =	shalt  }
0x68: {  	_ =	shalt  }
0x69: {  	_ =	shalt  }
0x6a: {  	_ =	shalt  }
0x6b: {  	_ =	shalt  }
0x6c: {  	_ =	shalt  }
0x6d: {  	_ =	shalt  }
0x6e: {  	_ =	shalt  }
0x6f: {  	_ =	shalt  }
0x70: {  	_ =	shalt  }
0x71: {  	_ =	shalt  }
0x72: {  	_ =	shalt  }
0x73: {  	_ =	shalt  }
0x74: {  	_ =	shalt  }
0x75: {  	_ =	shalt  }
0x76: {  	_ =	shalt  }
0x77: {  	_ =	shalt  }
0x78: {  	_ =	shalt  }
0x79: {  	_ =	shalt  }
0x7a: {  	_ =	shalt  }
0x7b: {  	_ =	shalt  }
0x7c: {  	_ =	shalt  }
0x7d: {  	_ =	shalt  }
0x7e: {  	_ =	shalt  }
0x7f: {  	_ =	shalt  }
0x80: {  	_ =	shalt  }
0x81: {  	_ =	shalt  }
0x82: {  	_ =	shalt  }
0x83: {  	_ =	shalt  }
0x84: {  	_ =	shalt  }
0x85: {  	_ =	shalt  }
0x86: {  	_ =	shalt  }
0x87: {  	_ =	shalt  }
.Lfunc_end0:
.L_simem_size_0:
called_computation.1_lowered:
.L_overlay_start_0:
0x88: {  	s2 =	sld [smem:$0x3FD9]  }
0x89: {  	s3 =	sld [smem:$0x3FFE];
	_ =	sdelay $0x1  }
0x8a: {  	s1 =	srdreg.scid  }
0x8b: {  	s0 =	sand.u32 $0x1, s1  }
0x8c: {  	s17 =	sshll.u32 s0, $0xA;
	s2 =	sadd.s32 s3, s2  }
0x8d: {  	s2 =	sadd.s32 s2, s17  }
0x8e: {  	[smem:$0x3FC6] =	sst s2  }
0x8f: {  	_ = 	snop  }
0x90: {  	s2 =	sld [smem:$0x3FC8];
	(tm) =	ssettm $0x1  }
0x91: {  	s18 =	sld [smem:$0x3FFB];
	_ =	sdelay $0x3  }
0x92: {  	_ =	strace s18  }
0x93: {  	s3 =	sld [smem:$0x3FFC];
	_ =	sdelay $0x3  }
0x94: {  	_ =	strace s3  }
0x95: {  	s3 =	sld [smem:$0x3FFD];
	_ =	sdelay $0x3  }
0x96: {  	_ =	strace s3  }
0x97: {  	_ =	strace $0x8FFFFFFF  }
0x98: {  	s19 =	sld [smem:$0x3FDB];
	_ =	sdelay $0x1  }
0x99: {  	s4 =	simm.s32 $_scs_section_size  }
0x9a: {  	s5 =	simm.s32 $_size__tile_overlayer_lowered;
	s6 =	simm.s32 $_tile_overlayer_lowered  }
0x9b: {  	s22 =	simm.s32 $0x1BFF;
	s21 =	sshll.u32 s6, $0x1;
	s3 =	sadd.s32 s4, s19  }
0x9c: {  	s7 =	simm.s32 $0x0;
	s20 =	sshll.u32 s5, $0x1;
	s5 =	sadd.s32 s21, s3  }
0x9d: {  	[timem:s7], [sflag:s22] =	dma.local [hbm:s5], s20  }
0x9e: {  	_ =	swait.ge [sflag:s22], s20  }
0x9f: {  	s4 =	ssub.s32 $0x0, s20;
	[sflag:s22] =	ssyncset.done $0x0  }
0xa0: {  	[sflag:s22] =	ssyncadd.s32 s4;
	_ =	sdelay $0x1  }
0xa1: {  	s23 =	simm.s32 $0x1B8B  }
0xa2: {  	_ =	swait.ge [sflag:s23], $0x1  }
0xa3: {  	[sflag:s23] =	ssyncset.done $0x0  }
0xa4: {  	s25 =	simm.s32 $0x1B8E;
	s24 =	sld [smem:$0x3FFE];
	[sflag:s23] =	ssyncadd.s32 $0xFFFFFFFF  }
0xa5: {  	s26 =	simm.s32 $execute0_lowered;
	[smem:$0x3FD2] =	sst s25  }
0xa6: {  	s5 =	sshll.u32 s26, $0x1;
	_ =	strace $0x80000049;
	[dreg:$0x1] =	wrdreg $0xFFFFFFFF  }
0xa7: {  	s28 =	simm.s32 $_size_execute0_lowered;
	s3 =	sadd.s32 s3, s5;
	[dreg:$0x0] =	wrdreg $0x0  }
0xa8: {  	s5 =	sshll.u32 s28, $0x1;
	[dreg:$0x2] =	wrdreg s3  }
0xa9: {  	[dreg:$0x3] =	wrdreg s5  }
0xaa: {  	[dreg:$0x4] =	wrdreg $0xC0  }
0xab: {  	_ =	task [dreg:s7], $0x5FFFF  }
0xac: {  	[dreg:$0x1] =	wrdreg $0xFFFFFFFF  }
0xad: {  	[dreg:$0x0] =	wrdreg $0x60  }
0xae: {  	[dreg:$0x2] =	wrdreg s2  }
0xaf: {  	[dreg:$0x3] =	wrdreg s24  }
0xb0: {  	[dreg:$0x4] =	wrdreg $0x9  }
0xb1: {  	_ =	task.clear_ibuf [dreg:s7], $0x5FFFF;
	_ =	strace $0x90000049  }
0xb2: {  	s29 =	simm.s32 $0x9;
	_ =	strace $0x8000004B  }
0xb3: {  	_ =	swait.ge [sflag:s29], $0x1  }
0xb4: {  	[sflag:s29] =	ssyncadd.s32 $0xFFFFFFFF  }
0xb5: {  	_ =	strace $0x9000004B  }
0xb6: {  	_ =	sfence  }
0xb7: {  	s30 =	sld [smem:$0x0];
	_ =	sdelay $0x2  }
0xb8: {  	s31 =	sshll.u32 s1, $0xD;
	s1 =	sshrl.u32 s1, $0x2  }
0xb9: {  	s3 =	sand.u32 $0x4000, s31;
	s1 =	sadd.s32 s1, s30  }
0xba: {  	s0 =	sor.u32 s3, s0;
	s1 =	sshll.u32 s1, $0x11  }
0xbb: {  	s0 =	sor.u32 s1, s0  }
0xbc: {  	s0 =	sadd.s32 $0x8F2B, s0  }
0xbd: {  	[sflag:s0] =	ssyncadd.remote.s32 $0x1  }
0xbe: {  	_ =	sfence.sel $0xFFFF  }
0xbf: {  	[dreg:$0x0] =	wrdreg $0xFFFFFFFF;
	(pc) =	sbr.abs _section_cstart, $3  }
0xc0: {  	[dreg:$0x1] =	wrdreg $0xFFFFFFFF  }
0xc1: {  	_ =	task.clear_ibuf [dreg:s7], $0x2FFFF;
	_ =	strace $0x9FFFFFFF  }
0xc2: {  	(tm) =	ssettm $0x7FFFFFFF  }
0xc3: {  	_ =	shalt  }
tec
execute0_lowered:
.L_overlay_start_1:
0x0: {  	(tag) =	ssettag $0x1  }
0x1: {  	s1 =	srdreg.scid  }
0x2: {  	s3 =	rddreg [dreg:$0x0];
	s0 =	stileid.u32;
	s10 =	sand.u32 $0x1, s1  }
0x3: {  	s5 =	rddreg [dreg:$0x1];
	s4 =	sshll.u32 s0, $0x6;
	s6 =	sshll.u32 s10, $0x5  }
0x4: {  	s2 =	simm.s32 $0x0;
	s1 =	rddreg [dreg:$0x2];
	s6 =	sor.u32 s6, s4  }
0x5: {  	[smem:$0x7FF] =	sst s2;
	s4 =	sshrl.u32 s6, $0x3  }
0x6: {  	_ =	strace $0x8000004A;
	s3 =	sadd.s32 s3, s4;
	s4 =	simm.s32 $0x2  }
0x7: {  	[tilespmem:s2], [sflag:$0x2] =	stream.linear.gather [hbm4b:s3+s2], $0x20, $0x38;
	[tilespmem:$0x180] =	vst v63  }
0x8: {  	_ =	swait.ge [sflag:s4], $0x20  }
0x9: {  	[sflag:s4] =	ssyncset.done $0x0  }
0xa: {  	[sflag:s4] =	ssyncadd.s32 $0xFFFFFFE0  }
0xb: {  	v0 =	vld [tilespmem:$0x0]  }
0xc: {  	v1 =	vld [tilespmem:$0x10];
	_ =	sdelay $0x3  }
0xd: {  	vm0 =	vgt.s32 v0, $0x0  }
0xe: {  	v2 =	vlaneseq.u32;
	vm13 =	vgt.s32 v1, $0x0;
	v3 =	vnsel vm0, $0x0, v0  }
0xf: {  	v0 =	vor.u32 s6, v2;
	s6 =	sor.u32 $0x10, s6;
	v4 =	vnsel vm13, $0x0, v1;
	v3 =	vshll.u32 v3, $0xA  }
0x10: {  	v1 =	vor.u32 s6, v2;
	v2 =	vor.u32 v0, v3;
	v3 =	vshll.u32 v4, $0xA  }
0x11: {  	s8 =	simm.s32 $0x80;
	s9 =	simm.s32 $0x100;
	[tilespmem:$0x80] =	vst v2;
	v2 =	vor.u32 v1, v3  }
0x12: {  	s7 =	simm.s32 $0x1;
	s5 =	sadd.s32 $0x800, s5;
	s6 =	simm.s32 $0x20;
	[tilespmem:$0x90] =	vst v2  }
0x13: {  	[tilespmem:s9], [sflag:$0x1] =	stream.indirect.gather [hbm4b:s5+s6], $0x1, s8, s6, $0xb8;
	[tilespmem:$0x180] =	vst v63  }
0x14: {  	_ =	swait.ge [sflag:s7], $0x20  }
0x15: {  	[sflag:s7] =	ssyncset.done $0x0  }
0x16: {  	[sflag:s7] =	ssyncadd.s32 $0xFFFFFFE0  }
0x17: {  	s10 =	ssub.s32 $0x2, s10;
	v3 =	vld [tilespmem:$0x0]  }
0x18: {  	s11 =	sshrl.u32 s10, $0x1;
	v4 =	vld [tilespmem:$0x10]  }
0x19: {  	s10 =	ssub.s32 s10, s11;
	v5 =	vld [tilespmem:$0x100]  }
0x1a: {  	s10 =	smax.u32 s10, $0x1;
	v6 =	vld [tilespmem:$0x110]  }
0x1b: {  	p0 =	sne.s32 s10, $0x1  }
.Ltmp0:
0x1c: {  	v2 =	vimm.f32 $0.0e+00;
	vm14 =	vgt.s32 v3, $0xFFFFFFFF;
	(pc) =	sbr.rel @!p0 .LBB2_2-.Ltmp0, $4  }
0x1d: {  	vm15 =	vgt.s32 v4, $0xFFFFFFFF;
	v3 =	vsel vm14, $0x41CCCCCD, v2  }
0x1e: {  	v4 =	vsub.f32 v5, v3;
	v3 =	vsel vm15, $0x41CCCCCD, v2  }
0x1f: {  	v3 =	vsub.f32 v6, v3  }
0x20: {  	s10 =	sadd.s32 $0xFFFFFFFF, s10;
	[tilespmem:$0x100] =	vst v4  }
.LBB2_1:
0x21: {  	p0 =	sne.s32 s10, $0x1;
	s10 =	sadd.s32 $0xFFFFFFFF, s10;
	[tilespmem:$0x110] =	vst v3  }
0x22: {  	[hbm4b:s5+s6] =	stream.indirect.scatter [tilespmem:s9], [sflag:$0x1], $0x1, s8, s6, $0xb8;
	[tilespmem:$0x180] =	vst v63  }
0x23: {  	_ =	swait.ge [sflag:s7], $0x20  }
0x24: {  	[sflag:s7] =	ssyncset.done $0x0  }
0x25: {  	[sflag:s7] =	ssyncadd.s32 $0xFFFFFFE0  }
0x26: {  	[tilespmem:s2], [sflag:$0x2] =	stream.linear.gather [hbm4b:s3+s2], $0x20, $0x38;
	[tilespmem:$0x180] =	vst v63  }
0x27: {  	_ =	swait.ge [sflag:s4], $0x20  }
0x28: {  	[sflag:s4] =	ssyncset.done $0x0  }
0x29: {  	[sflag:s4] =	ssyncadd.s32 $0xFFFFFFE0  }
0x2a: {  	v3 =	vld [tilespmem:$0x0]  }
0x2b: {  	v4 =	vld [tilespmem:$0x10];
	_ =	sdelay $0x3  }
0x2c: {  	vm0 =	vgt.s32 v3, $0x0  }
0x2d: {  	v3 =	vnsel vm0, $0x0, v3;
	vm0 =	vgt.s32 v4, $0x0  }
0x2e: {  	v3 =	vshll.u32 v3, $0xA;
	v4 =	vnsel vm0, $0x0, v4  }
0x2f: {  	v3 =	vor.u32 v0, v3;
	v4 =	vshll.u32 v4, $0xA  }
0x30: {  	[tilespmem:$0x80] =	vst v3;
	v3 =	vor.u32 v1, v4  }
0x31: {  	[tilespmem:$0x90] =	vst v3  }
0x32: {  	[tilespmem:s9], [sflag:$0x1] =	stream.indirect.gather [hbm4b:s5+s6], $0x1, s8, s6, $0xb8;
	[tilespmem:$0x180] =	vst v63  }
0x33: {  	_ =	swait.ge [sflag:s7], $0x20  }
0x34: {  	[sflag:s7] =	ssyncset.done $0x0  }
0x35: {  	[sflag:s7] =	ssyncadd.s32 $0xFFFFFFE0  }
0x36: {  	v3 =	vld [tilespmem:$0x0]  }
0x37: {  	v4 =	vld [tilespmem:$0x10]  }
0x38: {  	v5 =	vld [tilespmem:$0x100]  }
0x39: {  	v6 =	vld [tilespmem:$0x110];
	_ =	sdelay $0x1  }
.Ltmp1:
0x3a: {  	vm0 =	vgt.s32 v3, $0xFFFFFFFF;
	(pc) =	sbr.rel @p0 .LBB2_1-.Ltmp1, $4  }
0x3b: {  	v3 =	vsel vm0, $0x41CCCCCD, v2;
	vm0 =	vgt.s32 v4, $0xFFFFFFFF  }
0x3c: {  	v4 =	vsub.f32 v5, v3;
	v3 =	vsel vm0, $0x41CCCCCD, v2  }
0x3d: {  	v3 =	vsub.f32 v6, v3  }
0x3e: {  	[tilespmem:$0x100] =	vst v4  }
.LBB2_2:
0x3f: {  	[tilespmem:$0x110] =	vst v3  }
0x40: {  	[hbm4b:s5+s6] =	stream.indirect.scatter [tilespmem:s9], [sflag:$0x1], $0x1, s8, s6, $0xb8;
	[tilespmem:$0x180] =	vst v63  }
0x41: {  	_ =	swait.ge [sflag:s7], $0x20  }
0x42: {  	[sflag:s7] =	ssyncset.done $0x0  }
0x43: {  	[sflag:s7] =	ssyncadd.s32 $0xFFFFFFE0  }
0x44: {  	_ =	sfence.sel $0x180000  }
0x45: {  	[bflag:$0x0] =	sbarrier.arrive $0xFFFF  }
0x46: {  	p0 =	sne.s32 s0, $0x0;
	_ =	strace $0x9000004A  }
0x47: {  	s0 =	sadd.s32 @!p0 $0x100000, s1;
	[bflag:$0x2] =	sbarrier.arrive $0xFFFF  }
0x48: {  	[sflag:s0] =	ssyncadd.tile.s32 @!p0 $0x1;
	_ =	shalt  }
.Lfunc_end2:
_tile_overlayer_lowered:
.L_overlay_start_2:
0x49: {  	(tag) =	ssettag $0x2  }
0x4a: {  	s0 =	rddreg [dreg:$0x0];
	s2 =	stileid.u32  }
0x4b: {  	s1 =	rddreg [dreg:$0x1];
	p0 =	sne.s32 s2, $0x0  }
0x4c: {  	s3 =	rddreg [dreg:$0x2];
	[bflag:$0x3] =	sbarrier.arrive $0xFFFF;
	s2 =	simm.s32 @!p0 $0x1C02  }
0x4d: {  	[timem:s3], [sflag:s2] =	dma.local @!p0 [hbm:s0], s1  }
0x4e: {  	s0 =	simm.s32 @!p0 $0x2  }
0x4f: {  	_ =	swait.ge @!p0 [sflag:s0], s1  }
0x50: {  	s1 =	ssub.s32 @!p0 $0x0, s1;
	[sflag:s0] =	ssyncset.done @!p0 $0x0  }
0x51: {  	[sflag:s0] =	ssyncadd.s32 @!p0 s1  }
0x52: {  	[bflag:$0x3] =	sbarrier.arrive $0xFFFF  }
0x53: {  	_ =	shalt  }

// kernel: sparse-core-data-format-call.cloned.1.call-start
scs
called_computation_lowered:
.L_overlay_start_0:
0x0: {  	s2 =	sld [smem:$0x3FD9]  }
0x1: {  	s3 =	sld [smem:$0x3FFE];
	_ =	sdelay $0x1  }
0x2: {  	s1 =	srdreg.scid  }
0x3: {  	s0 =	sand.u32 $0x1, s1  }
0x4: {  	s18 =	sshll.u32 s0, $0xA;
	s2 =	sadd.s32 s3, s2  }
0x5: {  	s2 =	sadd.s32 s2, s18  }
0x6: {  	[smem:$0x3FC6] =	sst s2  }
0x7: {  	_ = 	snop  }
0x8: {  	s2 =	sld [smem:$0x3FD0];
	(tm) =	ssettm $0x1  }
0x9: {  	s19 =	sld [smem:$0x3FFB];
	_ =	sdelay $0x3  }
0xa: {  	_ =	strace s19  }
0xb: {  	s3 =	sld [smem:$0x3FFC];
	_ =	sdelay $0x3  }
0xc: {  	_ =	strace s3  }
0xd: {  	s3 =	sld [smem:$0x3FFD];
	_ =	sdelay $0x3  }
0xe: {  	_ =	strace s3  }
0xf: {  	_ =	strace $0x8FFFFFFF  }
0x10: {  	s20 =	sld [smem:$0x3FDB];
	_ =	sdelay $0x1  }
0x11: {  	s4 =	simm.s32 $_scs_section_size  }
0x12: {  	s5 =	simm.s32 $_size__tile_overlayer_lowered;
	s6 =	simm.s32 $_tile_overlayer_lowered  }
0x13: {  	s23 =	simm.s32 $0x1BFF;
	s22 =	sshll.u32 s6, $0x1;
	s3 =	sadd.s32 s4, s20  }
0x14: {  	s7 =	simm.s32 $0x0;
	s21 =	sshll.u32 s5, $0x1;
	s5 =	sadd.s32 s22, s3  }
0x15: {  	[timem:s7], [sflag:s23] =	dma.local [hbm:s5], s21  }
0x16: {  	_ =	swait.ge [sflag:s23], s21  }
0x17: {  	s4 =	ssub.s32 $0x0, s21;
	[sflag:s23] =	ssyncset.done $0x0  }
0x18: {  	[sflag:s23] =	ssyncadd.s32 s4;
	_ =	sdelay $0x1  }
0x19: {  	s24 =	simm.s32 $0x1B8B  }
0x1a: {  	_ =	swait.ge [sflag:s24], $0x1  }
0x1b: {  	[sflag:s24] =	ssyncset.done $0x0  }
0x1c: {  	s26 =	simm.s32 $0x1B8E;
	s25 =	sld [smem:$0x3FFE];
	[sflag:s24] =	ssyncadd.s32 $0xFFFFFFFF  }
0x1d: {  	s27 =	simm.s32 $execute0_lowered;
	[smem:$0x3FD2] =	sst s26  }
0x1e: {  	s5 =	sshll.u32 s27, $0x1;
	_ =	strace $0x80000046;
	[dreg:$0x1] =	wrdreg $0xFFFFFFFF  }
0x1f: {  	s28 =	simm.s32 $_size_execute0_lowered;
	s3 =	sadd.s32 s3, s5;
	[dreg:$0x0] =	wrdreg $0x0  }
0x20: {  	s5 =	sshll.u32 s28, $0x1;
	[dreg:$0x2] =	wrdreg s3  }
0x21: {  	[dreg:$0x3] =	wrdreg s5  }
0x22: {  	[dreg:$0x4] =	wrdreg $0xC0  }
0x23: {  	_ =	task [dreg:s7], $0x5FFFF  }
0x24: {  	[dreg:$0x1] =	wrdreg $0xFFFFFFFF  }
0x25: {  	[dreg:$0x0] =	wrdreg $0x60  }
0x26: {  	[dreg:$0x2] =	wrdreg s2  }
0x27: {  	[dreg:$0x3] =	wrdreg s25  }
0x28: {  	[dreg:$0x4] =	wrdreg $0x9  }
0x29: {  	_ =	task.clear_ibuf [dreg:s7], $0x5FFFF;
	_ =	strace $0x90000046  }
0x2a: {  	s29 =	simm.s32 $0x9;
	_ =	strace $0x80000048  }
0x2b: {  	_ =	swait.ge [sflag:s29], $0x1  }
0x2c: {  	[sflag:s29] =	ssyncadd.s32 $0xFFFFFFFF  }
0x2d: {  	_ =	strace $0x90000048  }
0x2e: {  	_ =	sfence  }
0x2f: {  	s30 =	sld [smem:$0x0];
	_ =	sdelay $0x2  }
0x30: {  	s31 =	sshll.u32 s1, $0xD;
	s1 =	sshrl.u32 s1, $0x2  }
0x31: {  	s3 =	sand.u32 $0x4000, s31;
	s1 =	sadd.s32 s1, s30  }
0x32: {  	s0 =	sor.u32 s3, s0;
	s1 =	sshll.u32 s1, $0x11  }
0x33: {  	s0 =	sor.u32 s1, s0  }
0x34: {  	s0 =	sadd.s32 $0x8F2B, s0  }
0x35: {  	[sflag:s0] =	ssyncadd.remote.s32 $0x1  }
0x36: {  	_ =	sfence.sel $0xFFFF  }
0x37: {  	[dreg:$0x0] =	wrdreg $0xFFFFFFFF;
	(pc) =	sbr.abs _section_cstart, $3  }
0x38: {  	[dreg:$0x1] =	wrdreg $0xFFFFFFFF  }
0x39: {  	_ =	task.clear_ibuf [dreg:s7], $0x2FFFF;
	_ =	strace $0x9FFFFFFF  }
0x3a: {  	(tm) =	ssettm $0x7FFFFFFF  }
0x3b: {  	_ =	shalt  }
tec
execute0_lowered:
.L_overlay_start_1:
0x0: {  	(tag) =	ssettag $0x1  }
0x1: {  	s0 =	srdreg.scid  }
0x2: {  	s1 =	sshll.u32 s0, $0x4  }
0x3: {  	s2 =	rddreg [dreg:$0x0];
	s0 =	stileid.u32;
	s1 =	sand.u32 $0x10, s1  }
0x4: {  	s4 =	rddreg [dreg:$0x1];
	s7 =	simm.s32 $0x1;
	s1 =	sor.u32 s0, s1  }
0x5: {  	s8 =	simm.s32 $0x2;
	s9 =	simm.s32 $0x0;
	s3 =	sshll.u32 s1, $0x1  }
0x6: {  	s12 =	simm.s32 $0x0;
	s11 =	simm.s32 $0x0;
	s6 =	ssub.s32 $0x30D4, s3  }
.Ltmp0:
0x7: {  	s4 =	sadd.s32 $0x800, s4;
	s5 =	sand.u32 $0x3E, s6;
	(pc) =	sbr.rel .LBB1_1-.Ltmp0, $4  }
0x8: {  	s1 =	rddreg [dreg:$0x2];
	_ =	strace $0x80000047;
	p0 =	sne.s32 s5, $0x0  }
0x9: {  	s6 =	sshrl.u32 s6, $0x6;
	s5 =	simm.s32 $0x1;
	s7 =	simm.s32 @!p0 $0x0  }
0xa: {  	s10 =	smov.u32 s3;
	[sflag:s5] =	ssyncpa.u1 $0x0;
	s6 =	sadd.s32 s7, s6  }
0xb: {  	[sflag:s8] =	ssyncpa.u1 $0x0;
	s8 =	simm.s32 $0x0;
	s7 =	sadd.s32 $0x1, s6  }
.LBB1_9:
0xc: {  	s14 =	sadd.s32 $0x40, s10  }
0xd: {  	p1 =	sgt.s32 s14, $0x30D3  }
0xe: {  	s14 =	smov.u32 @p1 s3;
	p1 =	sne.s32 s11, s7  }
.Ltmp1:
0xf: {  	p0 =	slt.u32 s11, $0x2;
	(pc) =	sbr.rel @!p1 .LBB1_10-.Ltmp1, $4  }
0x10: {  	s13 =	simm.s32 @!p0 $0x2  }
0x11: {  	s15 =	sadd.s32 $0x1, s11;
	_ =	swait.ge @!p0 [sflag:s13], $0x4000  }
0x12: {  	s12 =	smov.u32 s10;
	s9 =	sadd.s32 $0x4000, s9;
	[sflag:s13] =	ssyncset.done @!p0 $0x0  }
0x13: {  	s11 =	smov.u32 s15;
	s10 =	smov.u32 s14;
	[sflag:s13] =	ssyncadd.s32 @!p0 $0xFFFFC000  }
.LBB1_1:
0x14: {  	p0 =	sge.u32 s11, s6  }
0x15: {  	s13 =	sxor.u32 @!p0 $0xFFFFFFFF, s11  }
0x16: {  	s31 =	sadd.s32 $0xFFFFFFFF, s11;
	s14 =	sshll.u32 @!p0 s10, $0xA;
	s13 =	sshll.u32 @!p0 s13, $0xE  }
0x17: {  	s15 =	simm.s32 @!p0 $0x0;
	s14 =	sadd.s32 @!p0 s2, s14;
	s13 =	sand.u32 @!p0 $0x4000, s13  }
0x18: {  	[tilespmem:s13], [sflag:$0x1] =	stream.linear.gather @!p0 [hbm4b:s14+s15], $0x4000, $0x38;
	[tilespmem:$0x10000] =	vst v63  }
0x19: {  	p0 =	sge.u32 s31, s6  }
.Ltmp2:
0x1a: {  	_ = 	snop;
	(pc) =	sbr.rel @p0 .LBB1_9-.Ltmp2, $1  }
0x1b: {  	_ =	sdelay $0x3  }
0x1c: {  	s13 =	sshll.u32 s9, $0x2  }
0x1d: {  	_ =	swait.ge [sflag:s5], $0x4000;
	s14 =	sshll.u32 s11, $0xE;
	s16 =	simm.s32 $0x0  }
0x1e: {  	p1 =	por $0x1, $0x1;
	s13 =	sand.u32 $0x10000, s13;
	[sflag:s5] =	ssyncset.done $0x0  }
0x1f: {  	s14 =	sand.u32 $0x4000, s14;
	s15 =	sshrl.u32 s13, $0x2;
	[sflag:s5] =	ssyncadd.s32 $0xFFFFC000  }
0x20: {  	s13 =	sor.u32 $0x8000, s14;
	s14 =	sadd.s32 $0x8040, s15;
	s15 =	sadd.s32 $0x40, s15  }
.LBB1_3:
0x21: {  	s16 =	sshll.u32 s16, $0x2  }
0x22: {  	p0 =	por p1, p1;
	s17 =	sshra.s32 s16, $0x2  }
0x23: {  	s18 =	simm.s32 $0x0;
	s16 =	sadd.s32 s17, s14;
	s17 =	sadd.s32 s17, s15  }
.LBB1_4:
0x24: {  	v0 =	vmov s17;
	_ =	sdelay $0x3  }
0x25: {  	s20 =	simm.s32 $0x0  }
0x26: {  	v6 =	vld.idx.msk [tilespmem:v0+s20+$0x30 ss:$0x1], $0xffff  }
0x27: {  	v7 =	vld.idx.msk [tilespmem:v0+s20+$0xFFFFFFC0 ss:$0x1], $0xffff  }
0x28: {  	v5 =	vld.idx.msk [tilespmem:v0+s20+$0xFFFFFFD0 ss:$0x1], $0xffff  }
0x29: {  	v4 =	vld.idx.msk [tilespmem:v0+s20+$0xFFFFFFE0 ss:$0x1], $0xffff  }
0x2a: {  	v3 =	vld.idx.msk [tilespmem:v0+s20+$0xFFFFFFF0 ss:$0x1], $0xffff  }
0x2b: {  	v1 =	vld.idx.msk [tilespmem:v0+s20+$0x0 ss:$0x1], $0xffff  }
0x2c: {  	v2 =	vld.idx.msk [tilespmem:v0+s20+$0x10 ss:$0x1], $0xffff;
	[tilespmem:s16+$0x30] =	vst v6  }
0x2d: {  	s19 =	simm.s32 $0x80;
	s21 =	simm.s32 $0x400;
	[tilespmem:s16+$0xFFFFFFC0] =	vst v7;
	v6 =	vld.idx.msk [tilespmem:v0+s20+$0x20 ss:$0x1], $0xffff;
	s20 =	smov.u32 s16  }
.LBB1_5:
0x2e: {  	p1 =	sne.s32 s21, $0xE00;
	v7 =	vld.idx.msk [tilespmem:v0+s19+$0x30 ss:$0x1], $0xffff;
	[tilespmem:s20+$0xFFFFFFD0] =	vst v5  }
0x2f: {  	v8 =	vld.idx.msk [tilespmem:v0+s19+$0xFFFFFFC0 ss:$0x1], $0xffff;
	[tilespmem:s20+$0xFFFFFFE0] =	vst v4  }
0x30: {  	v5 =	vld.idx.msk [tilespmem:v0+s19+$0xFFFFFFD0 ss:$0x1], $0xffff;
	[tilespmem:s20+$0xFFFFFFF0] =	vst v3  }
.Ltmp3:
0x31: {  	v4 =	vld.idx.msk [tilespmem:v0+s19+$0xFFFFFFE0 ss:$0x1], $0xffff;
	[tilespmem:s20+$0x0] =	vst v1;
	(pc) =	sbr.rel @p1 .LBB1_5-.Ltmp3, $4  }
0x32: {  	v3 =	vld.idx.msk [tilespmem:v0+s19+$0xFFFFFFF0 ss:$0x1], $0xffff;
	[tilespmem:s20+$0x10] =	vst v2  }
0x33: {  	v1 =	vld.idx.msk [tilespmem:v0+s19+$0x0 ss:$0x1], $0xffff;
	[tilespmem:s20+$0x20] =	vst v6;
	s20 =	sadd.s32 $0x400, s20  }
0x34: {  	v2 =	vld.idx.msk [tilespmem:v0+s19+$0x10 ss:$0x1], $0xffff;
	[tilespmem:s20+$0x30] =	vst v7  }
0x35: {  	[tilespmem:s20+$0xFFFFFFC0] =	vst v8;
	v6 =	vld.idx.msk [tilespmem:v0+s19+$0x20 ss:$0x1], $0xffff;
	s19 =	sshra.s32 s21, $0x2;
	s21 =	sadd.s32 $0x200, s21  }
0x36: {  	_ =	sdelay $0x2  }
0x37: {  	[tilespmem:s20+$0xFFFFFFD0] =	vst v5  }
0x38: {  	v56 =	vld.idx.msk [tilespmem:v0+s19+$0x30 ss:$0x1], $0xffff;
	[tilespmem:s20+$0xFFFFFFE0] =	vst v4  }
0x39: {  	v57 =	vld.idx.msk [tilespmem:v0+s19+$0xFFFFFFC0 ss:$0x1], $0xffff;
	[tilespmem:s20+$0xFFFFFFF0] =	vst v3  }
0x3a: {  	v58 =	vld.idx.msk [tilespmem:v0+s19+$0xFFFFFFD0 ss:$0x1], $0xffff;
	[tilespmem:s20+$0x0] =	vst v1  }
0x3b: {  	v59 =	vld.idx.msk [tilespmem:v0+s19+$0xFFFFFFE0 ss:$0x1], $0xffff;
	[tilespmem:s20+$0x10] =	vst v2  }
0x3c: {  	v60 =	vld.idx.msk [tilespmem:v0+s19+$0xFFFFFFF0 ss:$0x1], $0xffff;
	s31 =	sadd.s32 $0x400, s20;
	[tilespmem:s20+$0x20] =	vst v6  }
0x3d: {  	v61 =	vld.idx.msk [tilespmem:v0+s19+$0x0 ss:$0x1], $0xffff;
	[tilespmem:s31+$0x30] =	vst v56  }
0x3e: {  	v62 =	vld.idx.msk [tilespmem:v0+s19+$0x10 ss:$0x1], $0xffff;
	s18 =	sadd.s32 $0x1, s18;
	[tilespmem:s31+$0xFFFFFFC0] =	vst v57  }
0x3f: {  	v63 =	vld.idx.msk [tilespmem:v0+s19+$0x20 ss:$0x1], $0xffff;
	p1 =	sne.s32 s18, $0x8;
	[tilespmem:s31+$0xFFFFFFD0] =	vst v58  }
.Ltmp4:
0x40: {  	[tilespmem:s31+$0xFFFFFFE0] =	vst v59;
	(pc) =	sbr.rel @p1 .LBB1_4-.Ltmp4, $4  }
0x41: {  	[tilespmem:s31+$0xFFFFFFF0] =	vst v60  }
0x42: {  	[tilespmem:s31+$0x0] =	vst v61  }
0x43: {  	[tilespmem:s31+$0x10] =	vst v62  }
0x44: {  	s16 =	sadd.s32 $0x80, s16;
	s17 =	sadd.s32 $0x400, s17;
	[tilespmem:s31+$0x20] =	vst v63  }
.Ltmp5:
0x45: {  	(pc) =	sbr.rel @p0 .LBB1_3-.Ltmp5, $2  }
0x46: {  	_ =	sdelay $0x2  }
0x47: {  	s16 =	simm.s32 $0x2000;
	p1 =	por $0x0, $0x0  }
.Ltmp6:
0x48: {  	(pc) =	sbr.rel .LBB1_9-.Ltmp6, $4  }
0x49: {  	_ = 	snop  }
0x4a: {  	s12 =	sshll.u32 s12, $0xA  }
0x4b: {  	s12 =	sadd.s32 s4, s12  }
0x4c: {  	[hbm4b:s12+s8] =	stream.linear.scatter [tilespmem:s13], [sflag:$0x2], $0x4000, $0x38;
	[tilespmem:$0x10000] =	vst v63  }
.LBB1_10:
0x4d: {  	_ =	sfence.sel $0x180000  }
0x4e: {  	s2 =	simm.s32 $0x1;
	[bflag:$0x0] =	sbarrier.arrive $0xFFFF  }
0x4f: {  	s31 =	simm.s32 $0x2;
	[sflag:s2] =	ssyncpa.u1 $0x1  }
0x50: {  	[sflag:s31] =	ssyncpa.u1 $0x1  }
0x51: {  	p0 =	sne.s32 s0, $0x0;
	_ =	strace $0x90000047  }
0x52: {  	s0 =	sadd.s32 @!p0 $0x100000, s1;
	[bflag:$0x2] =	sbarrier.arrive $0xFFFF  }
0x53: {  	[sflag:s0] =	ssyncadd.tile.s32 @!p0 $0x1;
	_ =	shalt  }
.Lfunc_end1:
_tile_overlayer_lowered:
.L_overlay_start_2:
0x54: {  	(tag) =	ssettag $0x2  }
0x55: {  	s0 =	rddreg [dreg:$0x0];
	s2 =	stileid.u32  }
0x56: {  	s1 =	rddreg [dreg:$0x1];
	p0 =	sne.s32 s2, $0x0  }
0x57: {  	s3 =	rddreg [dreg:$0x2];
	[bflag:$0x3] =	sbarrier.arrive $0xFFFF;
	s2 =	simm.s32 @!p0 $0x1C01  }
0x58: {  	[timem:s3], [sflag:s2] =	dma.local @!p0 [hbm:s0], s1  }
0x59: {  	s0 =	simm.s32 @!p0 $0x1  }
0x5a: {  	_ =	swait.ge @!p0 [sflag:s0], s1  }
0x5b: {  	s1 =	ssub.s32 @!p0 $0x0, s1;
	[sflag:s0] =	ssyncset.done @!p0 $0x0  }
0x5c: {  	[sflag:s0] =	ssyncadd.s32 @!p0 s1  }
0x5d: {  	[bflag:$0x3] =	sbarrier.arrive $0xFFFF  }
0x5e: {  	_ =	shalt  }

</sc_bundles>
